<compile_context>
chip_gen: v7x
topology: tpu7x:2x2x1
jax: 0.10.2.dev20260603
libtpu: 0.0.44.dev20260713+nightly
codegen_flags: <defaults>
</compile_context>

<pallas_src>
import functools

import jax
import jax.numpy as jnp
from jax import lax
from jax.experimental import pallas as pl
from jax.experimental.pallas import tpu as pltpu
from jax.experimental.pallas import tpu_sc as plsc

_NC, _NS = 2, 16
_NW = _NC * _NS
_CHUNKS = 4


def _make_sc_copy(N, L, dtype):
    rows_w = N // _NW
    ch = rows_w // _CHUNKS
    mesh = plsc.VectorSubcoreMesh(core_axis_name="c", subcore_axis_name="s")

    @functools.partial(
        pl.kernel,
        mesh=mesh,
        out_type=jax.ShapeDtypeStruct((N, L), dtype),
        scratch_types=[pltpu.VMEM((rows_w, L), dtype)]
        + [pltpu.SemaphoreType.DMA] * (2 * _CHUNKS),
    )
    def sc_copy(blocks_hbm, out_hbm, buf, *sems):
        wid = lax.axis_index("s") * _NC + lax.axis_index("c")
        base = wid * rows_w
        in_sems, out_sems = sems[:_CHUNKS], sems[_CHUNKS:]
        ins = [
            pltpu.make_async_copy(
                blocks_hbm.at[pl.ds(base + i * ch, ch), :],
                buf.at[pl.ds(i * ch, ch), :],
                in_sems[i],
            )
            for i in range(_CHUNKS)
        ]
        outs = [
            pltpu.make_async_copy(
                buf.at[pl.ds(i * ch, ch), :],
                out_hbm.at[pl.ds(base + i * ch, ch), :],
                out_sems[i],
            )
            for i in range(_CHUNKS)
        ]
        for c in ins:
            c.start()
        for i in range(_CHUNKS):
            ins[i].wait()
            outs[i].start()
        for c in outs:
            c.wait()

    return sc_copy


def kernel(features, blocks, cluster_centers, W1, b1, W2, b2, epoch, max_epochs):
    N, L = blocks.shape
    return _make_sc_copy(N, L, blocks.dtype)(blocks)

# --- scband reference (transcript-rebuilt; emitter-appended) ---
"""Pipeline reference for scband-cluster-flip-module-67851893342541 (READ-ONLY COPY).

The authoritative reference and input builder live on the scoring server;
editing this copy changes nothing except your own understanding.
"""

import jax, jax.numpy as jnp
import numpy as np


def setup_inputs(seed: int = 0) -> dict:
    key = jax.random.key(seed)
    k1, k2, k3, k4, k5 = jax.random.split(key, 5)
    N, L = 2048, 512
    features = jax.random.normal(k1, (N, 2), dtype=jnp.float32)
    blocks = jax.random.normal(k2, (N, L), dtype=jnp.float32)
    cluster_centers = jax.random.normal(k3, (1, 2), dtype=jnp.float32)
    W1 = jax.random.normal(k4, (2, 8), dtype=jnp.float32) * (1.0 / np.sqrt(2.0))
    b1 = jnp.zeros((8,), dtype=jnp.float32)
    W2 = jax.random.normal(k5, (8, 1), dtype=jnp.float32) * (1.0 / np.sqrt(8.0))
    b2 = jnp.zeros((1,), dtype=jnp.float32)
    return {"features": features, "blocks": blocks, "cluster_centers": cluster_centers,
            "W1": W1, "b1": b1, "W2": W2, "b2": b2, "epoch": 50, "max_epochs": 100}


def reference(features, blocks, cluster_centers, W1, b1, W2, b2, epoch, max_epochs):
    n_clusters = cluster_centers.shape[0]
    num_patches = blocks.shape[0]
    # torch.cdist(features, cluster_centers)
    diff = features[:, None, :] - cluster_centers[None, :, :]
    distances = jnp.sqrt(jnp.sum(diff * diff, axis=-1))
    labels = jnp.argmin(distances, axis=-1)
    flipped_blocks = blocks + 0.0  # blocks.clone()
    progress = epoch / max_epochs
    high_importance_ratio = 0.5 * (1.0 - progress)
    low_importance_ratio = 0.5 * progress
    for cluster_id in range(n_clusters):
        mask = labels == cluster_id
        # With a single cluster center (n_clusters == 1), argmin over one column is
        # always 0, so mask is all-True and the cluster size equals num_patches.
        csize = num_patches
        if csize > 0:
            cluster_features = jnp.where(mask[:, None], features, 0.0)
            # ImportanceScorer: Linear(2,8) -> ReLU -> Linear(8,1) -> sigmoid
            h = jnp.maximum(cluster_features @ W1 + b1, 0.0)
            importance = jax.nn.sigmoid(h @ W2 + b2).squeeze(-1)
            # epoch=50, max_epochs=100 are the constants setup_inputs always passes.
            num_high = max(1, int(0.5 * (1.0 - 50.0 / 100.0) * num_patches))
            num_low = max(1, int(0.5 * (50.0 / 100.0) * num_patches))
            _, high_indices = jax.lax.top_k(importance, num_high)
            _, low_indices = jax.lax.top_k(-importance, num_low)
            flip_indices = jnp.concatenate([high_indices, low_indices])
            # NOTE: the original torch code does `flipped_blocks[mask][idx] = torch.flip(...)`.
            # Advanced indexing returns a temporary copy, so those writes never reach
            # flipped_blocks; the forward output is exactly blocks.clone(). We reproduce
            # the flip computation faithfully but discard it, matching torch semantics.
            masked_blocks = jnp.where(mask[:, None], flipped_blocks, 0.0)
            _ = jnp.flip(masked_blocks[flip_indices], axis=-1) + 0.0 * (
                high_importance_ratio + low_importance_ratio)
    return flipped_blocks

if __name__ == "__main__":
    import jax
    _d = setup_inputs()
    print(jax.jit(kernel)(*tuple(_d.values())))

</pallas_src>

<mosaic_0001>
#map = affine_map<(d0, d1) -> (0, 0)>
module attributes {stable_mosaic.version = 14 : i64} {
  func.func @sc_copy(%arg0: i32, %arg1: i32, %arg2: memref<2048x512xf32, #tpu.memory_space<hbm>>, %arg3: memref<2048x512xf32, #tpu.memory_space<hbm>>, %arg4: memref<64x512xf32, #tpu.memory_space<vmem>>, %arg5: memref<!tpu.dma_semaphore, #tpu.memory_space<semaphore_mem>>, %arg6: memref<!tpu.dma_semaphore, #tpu.memory_space<semaphore_mem>>, %arg7: memref<!tpu.dma_semaphore, #tpu.memory_space<semaphore_mem>>, %arg8: memref<!tpu.dma_semaphore, #tpu.memory_space<semaphore_mem>>, %arg9: memref<!tpu.dma_semaphore, #tpu.memory_space<semaphore_mem>>, %arg10: memref<!tpu.dma_semaphore, #tpu.memory_space<semaphore_mem>>, %arg11: memref<!tpu.dma_semaphore, #tpu.memory_space<semaphore_mem>>, %arg12: memref<!tpu.dma_semaphore, #tpu.memory_space<semaphore_mem>>) attributes {dimension_semantics = [#tpu.dimension_semantics<core_parallel>, #tpu.dimension_semantics<subcore_parallel>], iteration_bounds = array<i64: 2, 16>, scalar_prefetch = 0 : i64, scratch_operands = 9 : i64, tpu.core_type = #tpu.core_type<sc_vector_subcore>, window_params = [{transform_indices = #map}, {transform_indices = #map}]} {
    %mul3A = arith.constant 2 : i32
    %mul3A_0 = arith.muli %arg1, %mul3A : i32
    %add3A = arith.addi %mul3A_0, %arg0 : i32
    %mul3A_1 = arith.constant 64 : i32
    %mul3A_2 = arith.muli %add3A, %mul3A_1 : i32
    %add3A_3 = arith.constant 0 : i32
    %add3A_4 = arith.addi %mul3A_2, %add3A_3 : i32
    %add3A_5 = arith.constant 16 : i32
    %add3A_6 = arith.addi %mul3A_2, %add3A_5 : i32
    %add3A_7 = arith.constant 32 : i32
    %add3A_8 = arith.addi %mul3A_2, %add3A_7 : i32
    %add3A_9 = arith.constant 48 : i32
    %add3A_10 = arith.addi %mul3A_2, %add3A_9 : i32
    %add3A_11 = arith.constant 0 : i32
    %add3A_12 = arith.addi %mul3A_2, %add3A_11 : i32
    %add3A_13 = arith.constant 16 : i32
    %add3A_14 = arith.addi %mul3A_2, %add3A_13 : i32
    %add3A_15 = arith.constant 32 : i32
    %add3A_16 = arith.addi %mul3A_2, %add3A_15 : i32
    %add3A_17 = arith.constant 48 : i32
    %add3A_18 = arith.addi %mul3A_2, %add3A_17 : i32
    %dma_start3A = arith.constant 0 : i32
    %dma_start3A_19 = arith.constant 0 : i32
    %dma_start3A_20 = tpu.memref_slice %arg4[%dma_start3A, %dma_start3A_19] : memref<64x512xf32, #tpu.memory_space<vmem>> -> memref<16x512xf32, #tpu.memory_space<vmem>>
    %dma_start3A_21 = arith.constant 0 : i32
    %dma_start3A_22 = tpu.memref_slice %arg2[%add3A_4, %dma_start3A_21] : memref<2048x512xf32, #tpu.memory_space<hbm>> -> memref<16x512xf32, #tpu.memory_space<hbm>>
    %dma_start3A_23 = arith.constant 0 : i32
    %dma_start3A_24 = arith.constant 0 : i32
    %dma_start3A_25 = tpu.memref_slice %arg4[%dma_start3A_23, %dma_start3A_24] : memref<64x512xf32, #tpu.memory_space<vmem>> -> memref<16x512xf32, #tpu.memory_space<vmem>>
    %dma_start3A_26 = arith.constant 0 : i32
    %dma_start3A_27 = tpu.memref_slice %arg2[%add3A_4, %dma_start3A_26] : memref<2048x512xf32, #tpu.memory_space<hbm>> -> memref<16x512xf32, #tpu.memory_space<hbm>>
    tpu.enqueue_dma source(%dma_start3A_27 : memref<16x512xf32, #tpu.memory_space<hbm>>) target(%dma_start3A_25 : memref<16x512xf32, #tpu.memory_space<vmem>>) target_semaphore(%arg5 : memref<!tpu.dma_semaphore, #tpu.memory_space<semaphore_mem>>)
    %dma_start3A_28 = arith.constant 16 : i32
    %dma_start3A_29 = arith.constant 0 : i32
    %dma_start3A_30 = tpu.memref_slice %arg4[%dma_start3A_28, %dma_start3A_29] : memref<64x512xf32, #tpu.memory_space<vmem>> -> memref<16x512xf32, #tpu.memory_space<vmem>>
    %dma_start3A_31 = arith.constant 0 : i32
    %dma_start3A_32 = tpu.memref_slice %arg2[%add3A_6, %dma_start3A_31] : memref<2048x512xf32, #tpu.memory_space<hbm>> -> memref<16x512xf32, #tpu.memory_space<hbm>>
    %dma_start3A_33 = arith.constant 16 : i32
    %dma_start3A_34 = arith.constant 0 : i32
    %dma_start3A_35 = tpu.memref_slice %arg4[%dma_start3A_33, %dma_start3A_34] : memref<64x512xf32, #tpu.memory_space<vmem>> -> memref<16x512xf32, #tpu.memory_space<vmem>>
    %dma_start3A_36 = arith.constant 0 : i32
    %dma_start3A_37 = tpu.memref_slice %arg2[%add3A_6, %dma_start3A_36] : memref<2048x512xf32, #tpu.memory_space<hbm>> -> memref<16x512xf32, #tpu.memory_space<hbm>>
    tpu.enqueue_dma source(%dma_start3A_37 : memref<16x512xf32, #tpu.memory_space<hbm>>) target(%dma_start3A_35 : memref<16x512xf32, #tpu.memory_space<vmem>>) target_semaphore(%arg6 : memref<!tpu.dma_semaphore, #tpu.memory_space<semaphore_mem>>)
    %dma_start3A_38 = arith.constant 32 : i32
    %dma_start3A_39 = arith.constant 0 : i32
    %dma_start3A_40 = tpu.memref_slice %arg4[%dma_start3A_38, %dma_start3A_39] : memref<64x512xf32, #tpu.memory_space<vmem>> -> memref<16x512xf32, #tpu.memory_space<vmem>>
    %dma_start3A_41 = arith.constant 0 : i32
    %dma_start3A_42 = tpu.memref_slice %arg2[%add3A_8, %dma_start3A_41] : memref<2048x512xf32, #tpu.memory_space<hbm>> -> memref<16x512xf32, #tpu.memory_space<hbm>>
    %dma_start3A_43 = arith.constant 32 : i32
    %dma_start3A_44 = arith.constant 0 : i32
    %dma_start3A_45 = tpu.memref_slice %arg4[%dma_start3A_43, %dma_start3A_44] : memref<64x512xf32, #tpu.memory_space<vmem>> -> memref<16x512xf32, #tpu.memory_space<vmem>>
    %dma_start3A_46 = arith.constant 0 : i32
    %dma_start3A_47 = tpu.memref_slice %arg2[%add3A_8, %dma_start3A_46] : memref<2048x512xf32, #tpu.memory_space<hbm>> -> memref<16x512xf32, #tpu.memory_space<hbm>>
    tpu.enqueue_dma source(%dma_start3A_47 : memref<16x512xf32, #tpu.memory_space<hbm>>) target(%dma_start3A_45 : memref<16x512xf32, #tpu.memory_space<vmem>>) target_semaphore(%arg7 : memref<!tpu.dma_semaphore, #tpu.memory_space<semaphore_mem>>)
    %dma_start3A_48 = arith.constant 48 : i32
    %dma_start3A_49 = arith.constant 0 : i32
    %dma_start3A_50 = tpu.memref_slice %arg4[%dma_start3A_48, %dma_start3A_49] : memref<64x512xf32, #tpu.memory_space<vmem>> -> memref<16x512xf32, #tpu.memory_space<vmem>>
    %dma_start3A_51 = arith.constant 0 : i32
    %dma_start3A_52 = tpu.memref_slice %arg2[%add3A_10, %dma_start3A_51] : memref<2048x512xf32, #tpu.memory_space<hbm>> -> memref<16x512xf32, #tpu.memory_space<hbm>>
    %dma_start3A_53 = arith.constant 48 : i32
    %dma_start3A_54 = arith.constant 0 : i32
    %dma_start3A_55 = tpu.memref_slice %arg4[%dma_start3A_53, %dma_start3A_54] : memref<64x512xf32, #tpu.memory_space<vmem>> -> memref<16x512xf32, #tpu.memory_space<vmem>>
    %dma_start3A_56 = arith.constant 0 : i32
    %dma_start3A_57 = tpu.memref_slice %arg2[%add3A_10, %dma_start3A_56] : memref<2048x512xf32, #tpu.memory_space<hbm>> -> memref<16x512xf32, #tpu.memory_space<hbm>>
    tpu.enqueue_dma source(%dma_start3A_57 : memref<16x512xf32, #tpu.memory_space<hbm>>) target(%dma_start3A_55 : memref<16x512xf32, #tpu.memory_space<vmem>>) target_semaphore(%arg8 : memref<!tpu.dma_semaphore, #tpu.memory_space<semaphore_mem>>)
    %dma_wait3A = arith.constant 0 : i32
    %dma_wait3A_58 = arith.constant 0 : i32
    %dma_wait3A_59 = tpu.memref_slice %arg4[%dma_wait3A, %dma_wait3A_58] : memref<64x512xf32, #tpu.memory_space<vmem>> -> memref<16x512xf32, #tpu.memory_space<vmem>>
    %dma_wait3A_60 = arith.constant 0 : i32
    %dma_wait3A_61 = tpu.memref_slice %arg2[%add3A_4, %dma_wait3A_60] : memref<2048x512xf32, #tpu.memory_space<hbm>> -> memref<16x512xf32, #tpu.memory_space<hbm>>
    %dma_wait3A_62 = arith.constant 0 : i32
    %dma_wait3A_63 = arith.constant 0 : i32
    %dma_wait3A_64 = tpu.memref_slice %arg4[%dma_wait3A_62, %dma_wait3A_63] : memref<64x512xf32, #tpu.memory_space<vmem>> -> memref<16x512xf32, #tpu.memory_space<vmem>>
    %dma_wait3A_65 = arith.constant 0 : i32
    %dma_wait3A_66 = tpu.memref_slice %arg2[%add3A_4, %dma_wait3A_65] : memref<2048x512xf32, #tpu.memory_space<hbm>> -> memref<16x512xf32, #tpu.memory_space<hbm>>
    tpu.wait_dma2 semaphore(%arg5 : memref<!tpu.dma_semaphore, #tpu.memory_space<semaphore_mem>>) src(%dma_wait3A_66 : memref<16x512xf32, #tpu.memory_space<hbm>>) dst(%dma_wait3A_64 : memref<16x512xf32, #tpu.memory_space<vmem>>)
    %dma_start3A_67 = arith.constant 0 : i32
    %dma_start3A_68 = arith.constant 0 : i32
    %dma_start3A_69 = tpu.memref_slice %arg4[%dma_start3A_67, %dma_start3A_68] : memref<64x512xf32, #tpu.memory_space<vmem>> -> memref<16x512xf32, #tpu.memory_space<vmem>>
    %dma_start3A_70 = arith.constant 0 : i32
    %dma_start3A_71 = tpu.memref_slice %arg3[%add3A_12, %dma_start3A_70] : memref<2048x512xf32, #tpu.memory_space<hbm>> -> memref<16x512xf32, #tpu.memory_space<hbm>>
    %dma_start3A_72 = arith.constant 0 : i32
    %dma_start3A_73 = tpu.memref_slice %arg3[%add3A_12, %dma_start3A_72] : memref<2048x512xf32, #tpu.memory_space<hbm>> -> memref<16x512xf32, #tpu.memory_space<hbm>>
    %dma_start3A_74 = arith.constant 0 : i32
    %dma_start3A_75 = arith.constant 0 : i32
    %dma_start3A_76 = tpu.memref_slice %arg4[%dma_start3A_74, %dma_start3A_75] : memref<64x512xf32, #tpu.memory_space<vmem>> -> memref<16x512xf32, #tpu.memory_space<vmem>>
    tpu.enqueue_dma source(%dma_start3A_76 : memref<16x512xf32, #tpu.memory_space<vmem>>) target(%dma_start3A_73 : memref<16x512xf32, #tpu.memory_space<hbm>>) target_semaphore(%arg9 : memref<!tpu.dma_semaphore, #tpu.memory_space<semaphore_mem>>)
    %dma_wait3A_77 = arith.constant 16 : i32
    %dma_wait3A_78 = arith.constant 0 : i32
    %dma_wait3A_79 = tpu.memref_slice %arg4[%dma_wait3A_77, %dma_wait3A_78] : memref<64x512xf32, #tpu.memory_space<vmem>> -> memref<16x512xf32, #tpu.memory_space<vmem>>
    %dma_wait3A_80 = arith.constant 0 : i32
    %dma_wait3A_81 = tpu.memref_slice %arg2[%add3A_6, %dma_wait3A_80] : memref<2048x512xf32, #tpu.memory_space<hbm>> -> memref<16x512xf32, #tpu.memory_space<hbm>>
    %dma_wait3A_82 = arith.constant 16 : i32
    %dma_wait3A_83 = arith.constant 0 : i32
    %dma_wait3A_84 = tpu.memref_slice %arg4[%dma_wait3A_82, %dma_wait3A_83] : memref<64x512xf32, #tpu.memory_space<vmem>> -> memref<16x512xf32, #tpu.memory_space<vmem>>
    %dma_wait3A_85 = arith.constant 0 : i32
    %dma_wait3A_86 = tpu.memref_slice %arg2[%add3A_6, %dma_wait3A_85] : memref<2048x512xf32, #tpu.memory_space<hbm>> -> memref<16x512xf32, #tpu.memory_space<hbm>>
    tpu.wait_dma2 semaphore(%arg6 : memref<!tpu.dma_semaphore, #tpu.memory_space<semaphore_mem>>) src(%dma_wait3A_86 : memref<16x512xf32, #tpu.memory_space<hbm>>) dst(%dma_wait3A_84 : memref<16x512xf32, #tpu.memory_space<vmem>>)
    %dma_start3A_87 = arith.constant 16 : i32
    %dma_start3A_88 = arith.constant 0 : i32
    %dma_start3A_89 = tpu.memref_slice %arg4[%dma_start3A_87, %dma_start3A_88] : memref<64x512xf32, #tpu.memory_space<vmem>> -> memref<16x512xf32, #tpu.memory_space<vmem>>
    %dma_start3A_90 = arith.constant 0 : i32
    %dma_start3A_91 = tpu.memref_slice %arg3[%add3A_14, %dma_start3A_90] : memref<2048x512xf32, #tpu.memory_space<hbm>> -> memref<16x512xf32, #tpu.memory_space<hbm>>
    %dma_start3A_92 = arith.constant 0 : i32
    %dma_start3A_93 = tpu.memref_slice %arg3[%add3A_14, %dma_start3A_92] : memref<2048x512xf32, #tpu.memory_space<hbm>> -> memref<16x512xf32, #tpu.memory_space<hbm>>
    %dma_start3A_94 = arith.constant 16 : i32
    %dma_start3A_95 = arith.constant 0 : i32
    %dma_start3A_96 = tpu.memref_slice %arg4[%dma_start3A_94, %dma_start3A_95] : memref<64x512xf32, #tpu.memory_space<vmem>> -> memref<16x512xf32, #tpu.memory_space<vmem>>
    tpu.enqueue_dma source(%dma_start3A_96 : memref<16x512xf32, #tpu.memory_space<vmem>>) target(%dma_start3A_93 : memref<16x512xf32, #tpu.memory_space<hbm>>) target_semaphore(%arg10 : memref<!tpu.dma_semaphore, #tpu.memory_space<semaphore_mem>>)
    %dma_wait3A_97 = arith.constant 32 : i32
    %dma_wait3A_98 = arith.constant 0 : i32
    %dma_wait3A_99 = tpu.memref_slice %arg4[%dma_wait3A_97, %dma_wait3A_98] : memref<64x512xf32, #tpu.memory_space<vmem>> -> memref<16x512xf32, #tpu.memory_space<vmem>>
    %dma_wait3A_100 = arith.constant 0 : i32
    %dma_wait3A_101 = tpu.memref_slice %arg2[%add3A_8, %dma_wait3A_100] : memref<2048x512xf32, #tpu.memory_space<hbm>> -> memref<16x512xf32, #tpu.memory_space<hbm>>
    %dma_wait3A_102 = arith.constant 32 : i32
    %dma_wait3A_103 = arith.constant 0 : i32
    %dma_wait3A_104 = tpu.memref_slice %arg4[%dma_wait3A_102, %dma_wait3A_103] : memref<64x512xf32, #tpu.memory_space<vmem>> -> memref<16x512xf32, #tpu.memory_space<vmem>>
    %dma_wait3A_105 = arith.constant 0 : i32
    %dma_wait3A_106 = tpu.memref_slice %arg2[%add3A_8, %dma_wait3A_105] : memref<2048x512xf32, #tpu.memory_space<hbm>> -> memref<16x512xf32, #tpu.memory_space<hbm>>
    tpu.wait_dma2 semaphore(%arg7 : memref<!tpu.dma_semaphore, #tpu.memory_space<semaphore_mem>>) src(%dma_wait3A_106 : memref<16x512xf32, #tpu.memory_space<hbm>>) dst(%dma_wait3A_104 : memref<16x512xf32, #tpu.memory_space<vmem>>)
    %dma_start3A_107 = arith.constant 32 : i32
    %dma_start3A_108 = arith.constant 0 : i32
    %dma_start3A_109 = tpu.memref_slice %arg4[%dma_start3A_107, %dma_start3A_108] : memref<64x512xf32, #tpu.memory_space<vmem>> -> memref<16x512xf32, #tpu.memory_space<vmem>>
    %dma_start3A_110 = arith.constant 0 : i32
    %dma_start3A_111 = tpu.memref_slice %arg3[%add3A_16, %dma_start3A_110] : memref<2048x512xf32, #tpu.memory_space<hbm>> -> memref<16x512xf32, #tpu.memory_space<hbm>>
    %dma_start3A_112 = arith.constant 0 : i32
    %dma_start3A_113 = tpu.memref_slice %arg3[%add3A_16, %dma_start3A_112] : memref<2048x512xf32, #tpu.memory_space<hbm>> -> memref<16x512xf32, #tpu.memory_space<hbm>>
    %dma_start3A_114 = arith.constant 32 : i32
    %dma_start3A_115 = arith.constant 0 : i32
    %dma_start3A_116 = tpu.memref_slice %arg4[%dma_start3A_114, %dma_start3A_115] : memref<64x512xf32, #tpu.memory_space<vmem>> -> memref<16x512xf32, #tpu.memory_space<vmem>>
    tpu.enqueue_dma source(%dma_start3A_116 : memref<16x512xf32, #tpu.memory_space<vmem>>) target(%dma_start3A_113 : memref<16x512xf32, #tpu.memory_space<hbm>>) target_semaphore(%arg11 : memref<!tpu.dma_semaphore, #tpu.memory_space<semaphore_mem>>)
    %dma_wait3A_117 = arith.constant 48 : i32
    %dma_wait3A_118 = arith.constant 0 : i32
    %dma_wait3A_119 = tpu.memref_slice %arg4[%dma_wait3A_117, %dma_wait3A_118] : memref<64x512xf32, #tpu.memory_space<vmem>> -> memref<16x512xf32, #tpu.memory_space<vmem>>
    %dma_wait3A_120 = arith.constant 0 : i32
    %dma_wait3A_121 = tpu.memref_slice %arg2[%add3A_10, %dma_wait3A_120] : memref<2048x512xf32, #tpu.memory_space<hbm>> -> memref<16x512xf32, #tpu.memory_space<hbm>>
    %dma_wait3A_122 = arith.constant 48 : i32
    %dma_wait3A_123 = arith.constant 0 : i32
    %dma_wait3A_124 = tpu.memref_slice %arg4[%dma_wait3A_122, %dma_wait3A_123] : memref<64x512xf32, #tpu.memory_space<vmem>> -> memref<16x512xf32, #tpu.memory_space<vmem>>
    %dma_wait3A_125 = arith.constant 0 : i32
    %dma_wait3A_126 = tpu.memref_slice %arg2[%add3A_10, %dma_wait3A_125] : memref<2048x512xf32, #tpu.memory_space<hbm>> -> memref<16x512xf32, #tpu.memory_space<hbm>>
    tpu.wait_dma2 semaphore(%arg8 : memref<!tpu.dma_semaphore, #tpu.memory_space<semaphore_mem>>) src(%dma_wait3A_126 : memref<16x512xf32, #tpu.memory_space<hbm>>) dst(%dma_wait3A_124 : memref<16x512xf32, #tpu.memory_space<vmem>>)
    %dma_start3A_127 = arith.constant 48 : i32
    %dma_start3A_128 = arith.constant 0 : i32
    %dma_start3A_129 = tpu.memref_slice %arg4[%dma_start3A_127, %dma_start3A_128] : memref<64x512xf32, #tpu.memory_space<vmem>> -> memref<16x512xf32, #tpu.memory_space<vmem>>
    %dma_start3A_130 = arith.constant 0 : i32
    %dma_start3A_131 = tpu.memref_slice %arg3[%add3A_18, %dma_start3A_130] : memref<2048x512xf32, #tpu.memory_space<hbm>> -> memref<16x512xf32, #tpu.memory_space<hbm>>
    %dma_start3A_132 = arith.constant 0 : i32
    %dma_start3A_133 = tpu.memref_slice %arg3[%add3A_18, %dma_start3A_132] : memref<2048x512xf32, #tpu.memory_space<hbm>> -> memref<16x512xf32, #tpu.memory_space<hbm>>
    %dma_start3A_134 = arith.constant 48 : i32
    %dma_start3A_135 = arith.constant 0 : i32
    %dma_start3A_136 = tpu.memref_slice %arg4[%dma_start3A_134, %dma_start3A_135] : memref<64x512xf32, #tpu.memory_space<vmem>> -> memref<16x512xf32, #tpu.memory_space<vmem>>
    tpu.enqueue_dma source(%dma_start3A_136 : memref<16x512xf32, #tpu.memory_space<vmem>>) target(%dma_start3A_133 : memref<16x512xf32, #tpu.memory_space<hbm>>) target_semaphore(%arg12 : memref<!tpu.dma_semaphore, #tpu.memory_space<semaphore_mem>>)
    %dma_wait3A_137 = arith.constant 0 : i32
    %dma_wait3A_138 = arith.constant 0 : i32
    %dma_wait3A_139 = tpu.memref_slice %arg4[%dma_wait3A_137, %dma_wait3A_138] : memref<64x512xf32, #tpu.memory_space<vmem>> -> memref<16x512xf32, #tpu.memory_space<vmem>>
    %dma_wait3A_140 = arith.constant 0 : i32
    %dma_wait3A_141 = tpu.memref_slice %arg3[%add3A_12, %dma_wait3A_140] : memref<2048x512xf32, #tpu.memory_space<hbm>> -> memref<16x512xf32, #tpu.memory_space<hbm>>
    %dma_wait3A_142 = arith.constant 0 : i32
    %dma_wait3A_143 = tpu.memref_slice %arg3[%add3A_12, %dma_wait3A_142] : memref<2048x512xf32, #tpu.memory_space<hbm>> -> memref<16x512xf32, #tpu.memory_space<hbm>>
    %dma_wait3A_144 = arith.constant 0 : i32
    %dma_wait3A_145 = arith.constant 0 : i32
    %dma_wait3A_146 = tpu.memref_slice %arg4[%dma_wait3A_144, %dma_wait3A_145] : memref<64x512xf32, #tpu.memory_space<vmem>> -> memref<16x512xf32, #tpu.memory_space<vmem>>
    tpu.wait_dma2 semaphore(%arg9 : memref<!tpu.dma_semaphore, #tpu.memory_space<semaphore_mem>>) src(%dma_wait3A_146 : memref<16x512xf32, #tpu.memory_space<vmem>>) dst(%dma_wait3A_143 : memref<16x512xf32, #tpu.memory_space<hbm>>)
    %dma_wait3A_147 = arith.constant 16 : i32
    %dma_wait3A_148 = arith.constant 0 : i32
    %dma_wait3A_149 = tpu.memref_slice %arg4[%dma_wait3A_147, %dma_wait3A_148] : memref<64x512xf32, #tpu.memory_space<vmem>> -> memref<16x512xf32, #tpu.memory_space<vmem>>
    %dma_wait3A_150 = arith.constant 0 : i32
    %dma_wait3A_151 = tpu.memref_slice %arg3[%add3A_14, %dma_wait3A_150] : memref<2048x512xf32, #tpu.memory_space<hbm>> -> memref<16x512xf32, #tpu.memory_space<hbm>>
    %dma_wait3A_152 = arith.constant 0 : i32
    %dma_wait3A_153 = tpu.memref_slice %arg3[%add3A_14, %dma_wait3A_152] : memref<2048x512xf32, #tpu.memory_space<hbm>> -> memref<16x512xf32, #tpu.memory_space<hbm>>
    %dma_wait3A_154 = arith.constant 16 : i32
    %dma_wait3A_155 = arith.constant 0 : i32
    %dma_wait3A_156 = tpu.memref_slice %arg4[%dma_wait3A_154, %dma_wait3A_155] : memref<64x512xf32, #tpu.memory_space<vmem>> -> memref<16x512xf32, #tpu.memory_space<vmem>>
    tpu.wait_dma2 semaphore(%arg10 : memref<!tpu.dma_semaphore, #tpu.memory_space<semaphore_mem>>) src(%dma_wait3A_156 : memref<16x512xf32, #tpu.memory_space<vmem>>) dst(%dma_wait3A_153 : memref<16x512xf32, #tpu.memory_space<hbm>>)
    %dma_wait3A_157 = arith.constant 32 : i32
    %dma_wait3A_158 = arith.constant 0 : i32
    %dma_wait3A_159 = tpu.memref_slice %arg4[%dma_wait3A_157, %dma_wait3A_158] : memref<64x512xf32, #tpu.memory_space<vmem>> -> memref<16x512xf32, #tpu.memory_space<vmem>>
    %dma_wait3A_160 = arith.constant 0 : i32
    %dma_wait3A_161 = tpu.memref_slice %arg3[%add3A_16, %dma_wait3A_160] : memref<2048x512xf32, #tpu.memory_space<hbm>> -> memref<16x512xf32, #tpu.memory_space<hbm>>
    %dma_wait3A_162 = arith.constant 0 : i32
    %dma_wait3A_163 = tpu.memref_slice %arg3[%add3A_16, %dma_wait3A_162] : memref<2048x512xf32, #tpu.memory_space<hbm>> -> memref<16x512xf32, #tpu.memory_space<hbm>>
    %dma_wait3A_164 = arith.constant 32 : i32
    %dma_wait3A_165 = arith.constant 0 : i32
    %dma_wait3A_166 = tpu.memref_slice %arg4[%dma_wait3A_164, %dma_wait3A_165] : memref<64x512xf32, #tpu.memory_space<vmem>> -> memref<16x512xf32, #tpu.memory_space<vmem>>
    tpu.wait_dma2 semaphore(%arg11 : memref<!tpu.dma_semaphore, #tpu.memory_space<semaphore_mem>>) src(%dma_wait3A_166 : memref<16x512xf32, #tpu.memory_space<vmem>>) dst(%dma_wait3A_163 : memref<16x512xf32, #tpu.memory_space<hbm>>)
    %dma_wait3A_167 = arith.constant 48 : i32
    %dma_wait3A_168 = arith.constant 0 : i32
    %dma_wait3A_169 = tpu.memref_slice %arg4[%dma_wait3A_167, %dma_wait3A_168] : memref<64x512xf32, #tpu.memory_space<vmem>> -> memref<16x512xf32, #tpu.memory_space<vmem>>
    %dma_wait3A_170 = arith.constant 0 : i32
    %dma_wait3A_171 = tpu.memref_slice %arg3[%add3A_18, %dma_wait3A_170] : memref<2048x512xf32, #tpu.memory_space<hbm>> -> memref<16x512xf32, #tpu.memory_space<hbm>>
    %dma_wait3A_172 = arith.constant 0 : i32
    %dma_wait3A_173 = tpu.memref_slice %arg3[%add3A_18, %dma_wait3A_172] : memref<2048x512xf32, #tpu.memory_space<hbm>> -> memref<16x512xf32, #tpu.memory_space<hbm>>
    %dma_wait3A_174 = arith.constant 48 : i32
    %dma_wait3A_175 = arith.constant 0 : i32
    %dma_wait3A_176 = tpu.memref_slice %arg4[%dma_wait3A_174, %dma_wait3A_175] : memref<64x512xf32, #tpu.memory_space<vmem>> -> memref<16x512xf32, #tpu.memory_space<vmem>>
    tpu.wait_dma2 semaphore(%arg12 : memref<!tpu.dma_semaphore, #tpu.memory_space<semaphore_mem>>) src(%dma_wait3A_176 : memref<16x512xf32, #tpu.memory_space<vmem>>) dst(%dma_wait3A_173 : memref<16x512xf32, #tpu.memory_space<hbm>>)
    return
  }
}

</mosaic_0001>

<sc_bundles>
// kernel: kernel.3.cloned.1.call-start
scs
__scs_entry_jumppad:
0x0: {  	(pc) =	sbr.rel $0x88, $3  }
0x1: {  	(tag) =	ssettag $0x0;
	lr =	simm.s32 $0x1  }
0x2: {  	[smem:$0x3FA0] =	sst lr;
	_ =	strace $0xD0000000  }
0x3: {  	_ = 	snop  }
0x4: {  	_ = 	snop  }
0x5: {  	_ = 	snop  }
0x6: {  	_ = 	snop  }
0x7: {  	_ = 	snop  }
__scs_overlays_trampoline_lowered:
0x8: {  	[smem:$0x3FAF] =	sst s0  }
0x9: {  	[smem:$0x3FB0] =	sst s1  }
0xa: {  	[smem:$0x3FB1] =	sst s2  }
0xb: {  	[smem:$0x3FB2] =	sst s3  }
0xc: {  	[smem:$0x3FB3] =	sst s4  }
0xd: {  	[smem:$0x3FB4] =	sst s5  }
0xe: {  	[smem:$0x3FB5] =	sst s6  }
0xf: {  	[smem:$0x3FB6] =	sst s7  }
0x10: {  	[smem:$0x3FB7] =	sst s8  }
0x11: {  	[smem:$0x3FB8] =	sst s9;
	s0 =	simm.s32 @!p0 $0x0  }
0x12: {  	s1 =	sld [smem:$0x3F9E];
	s0 =	simm.s32 @p0 $0x1  }
0x13: {  	[smem:$0x3FB9] =	sst s0;
	s0 =	simm.s32 @!p1 $0x0  }
0x14: {  	s2 =	sld [smem:$0x3F9D];
	s0 =	simm.s32 @p1 $0x1  }
0x15: {  	[smem:$0x3FBA] =	sst s0;
	s0 =	simm.s32 @!p2 $0x0  }
0x16: {  	s3 =	sld [smem:$0x3FDB];
	s0 =	simm.s32 @p2 $0x1  }
0x17: {  	s4 =	simm.s32 $0x1BF5;
	[smem:$0x3FBC] =	sst s0  }
0x18: {  	s0 =	sld [smem:$0x3F9F];
	_ =	swait.ge [sflag:s4], $0x0  }
0x19: {  	s7 =	sld [smem:$0x3FA0]  }
0x1a: {  	s8 =	sadd.s32 $0xFFFFE003, lr  }
0x1b: {  	s9 =	sadd.s32 $0xFFFFFEF7, lr;
	s5 =	simm.s32 $0xFFFFFFFF;
	p2 =	slt.u32 s8, $0xFFFFF086  }
0x1c: {  	p1 =	slt.u32 s9, $0xF7A;
	s5 =	simm.s32 @!p2 $0x0  }
0x1d: {  	s5 =	simm.s32 @p1 $0x1;
	p0 =	seq.s32 s7, s2  }
0x1e: {  	s7 =	smul.u32 @!p0 $0xF7A, s2;
	p2 =	seq.s32 @!p0 s5, $0x0  }
0x1f: {  	s9 =	smul.u32 $0xF7A, s1;
	s8 =	simm.s32 @!p0 $0x1BF5;
	p2 =	por !p2, p0  }
0x20: {  	[sflag:s8] =	ssyncset.s32 @!p0 $0xFFFFF086;
	s6 =	sadd.s32 @!p0 s3, s7;
	s7 =	simm.s32 @!p0 $0x108  }
0x21: {  	s3 =	sadd.s32 s3, s9;
	s6 =	sadd.s32 @!p0 $0x88, s6;
	s7 =	simm.s32 @p2 $0x1082  }
0x22: {  	[simem:s7], [sflag:s8] =	dma.local @!p0 [hbm:s6], $0xF7A  }
0x23: {  	s9 =	sor.u32 $0xD0000000, s2;
	s6 =	simm.s32 $0x108;
	_ =	swait.ge @!p0 [sflag:s8], $0x0  }
0x24: {  	s3 =	sadd.s32 $0x88, s3;
	s6 =	simm.s32 @!p1 $0x1082;
	[sflag:s4] =	ssyncset.s32 $0xFFFFF086  }
0x25: {  	[simem:s6], [sflag:s4] =	dma.local [hbm:s3], $0xF7A  }
0x26: {  	[smem:$0x3FA0] =	sst s1;
	(tag) =	ssettag s2;
	_ =	strace s9  }
0x27: {  	s1 =	sld [smem:$0x3FB0]  }
0x28: {  	s2 =	sld [smem:$0x3FB1]  }
0x29: {  	s4 =	sld [smem:$0x3FB3]  }
0x2a: {  	p0 =	seq.s32 s5, $0x0;
	s5 =	sld [smem:$0x3FB4]  }
0x2b: {  	s6 =	sld [smem:$0x3FB5]  }
0x2c: {  	s7 =	sld [smem:$0x3FB6]  }
0x2d: {  	s3 =	simm.s32 $0x108;
	s8 =	sld [smem:$0x3FB7]  }
0x2e: {  	s3 =	simm.s32 @!p0 $0x1082;
	s9 =	sld [smem:$0x3FB8]  }
0x2f: {  	lr =	sadd.s32 s0, s3;
	s0 =	sld [smem:$0x3FAF]  }
0x30: {  	s3 =	sld [smem:$0x3FB2]  }
0x31: {  	[smem:$0x3FBB] =	sst s10  }
0x32: {  	s10 =	sld [smem:$0x3FB9];
	_ =	sdelay $0x3  }
0x33: {  	p0 =	seq.s32 s10, $0x1;
	s10 =	sld [smem:$0x3FBB];
	_ =	sdelay $0x3  }
0x34: {  	[smem:$0x3FBB] =	sst s10  }
0x35: {  	s10 =	sld [smem:$0x3FBA];
	_ =	sdelay $0x3  }
0x36: {  	p1 =	seq.s32 s10, $0x1;
	s10 =	sld [smem:$0x3FBB];
	_ =	sdelay $0x3  }
0x37: {  	[smem:$0x3FBB] =	sst s10  }
0x38: {  	s10 =	sld [smem:$0x3FBC]  }
0x39: {  	_ = 	snop;
	(pc) =	sbr.ind lr, $3  }
0x3a: {  	_ = 	snop  }
0x3b: {  	_ = 	snop  }
0x3c: {  	p2 =	seq.s32 s10, $0x1;
	s10 =	sld [smem:$0x3FBB]  }
0x3d: {  	_ =	shalt  }
0x3e: {  	_ =	shalt  }
0x3f: {  	_ =	shalt  }
0x40: {  	_ =	shalt  }
0x41: {  	_ =	shalt  }
0x42: {  	_ =	shalt  }
0x43: {  	_ =	shalt  }
0x44: {  	_ =	shalt  }
0x45: {  	_ =	shalt  }
0x46: {  	_ =	shalt  }
0x47: {  	_ =	shalt  }
0x48: {  	_ =	shalt  }
0x49: {  	_ =	shalt  }
0x4a: {  	_ =	shalt  }
0x4b: {  	_ =	shalt  }
0x4c: {  	_ =	shalt  }
0x4d: {  	_ =	shalt  }
0x4e: {  	_ =	shalt  }
0x4f: {  	_ =	shalt  }
0x50: {  	_ =	shalt  }
0x51: {  	_ =	shalt  }
0x52: {  	_ =	shalt  }
0x53: {  	_ =	shalt  }
0x54: {  	_ =	shalt  }
0x55: {  	_ =	shalt  }
0x56: {  	_ =	shalt  }
0x57: {  	_ =	shalt  }
0x58: {  	_ =	shalt  }
0x59: {  	_ =	shalt  }
0x5a: {  	_ =	shalt  }
0x5b: {  	_ =	shalt  }
0x5c: {  	_ =	shalt  }
0x5d: {  	_ =	shalt  }
0x5e: {  	_ =	shalt  }
0x5f: {  	_ =	shalt  }
0x60: {  	_ =	shalt  }
0x61: {  	_ =	shalt  }
0x62: {  	_ =	shalt  }
0x63: {  	_ =	shalt  }
0x64: {  	_ =	shalt  }
0x65: {  	_ =	shalt  }
0x66: {  	_ =	shalt  }
0x67: {  	_ =	shalt  }
0x68: {  	_ =	shalt  }
0x69: {  	_ =	shalt  }
0x6a: {  	_ =	shalt  }
0x6b: {  	_ =	shalt  }
0x6c: {  	_ =	shalt  }
0x6d: {  	_ =	shalt  }
0x6e: {  	_ =	shalt  }
0x6f: {  	_ =	shalt  }
0x70: {  	_ =	shalt  }
0x71: {  	_ =	shalt  }
0x72: {  	_ =	shalt  }
0x73: {  	_ =	shalt  }
0x74: {  	_ =	shalt  }
0x75: {  	_ =	shalt  }
0x76: {  	_ =	shalt  }
0x77: {  	_ =	shalt  }
0x78: {  	_ =	shalt  }
0x79: {  	_ =	shalt  }
0x7a: {  	_ =	shalt  }
0x7b: {  	_ =	shalt  }
0x7c: {  	_ =	shalt  }
0x7d: {  	_ =	shalt  }
0x7e: {  	_ =	shalt  }
0x7f: {  	_ =	shalt  }
0x80: {  	_ =	shalt  }
0x81: {  	_ =	shalt  }
0x82: {  	_ =	shalt  }
0x83: {  	_ =	shalt  }
0x84: {  	_ =	shalt  }
0x85: {  	_ =	shalt  }
0x86: {  	_ =	shalt  }
0x87: {  	_ =	shalt  }
.Lfunc_end0:
.L_simem_size_0:
called_computation_lowered:
.L_overlay_start_0:
0x88: {  	s2 =	sld [smem:$0x3FD9]  }
0x89: {  	s3 =	sld [smem:$0x3FFE];
	_ =	sdelay $0x1  }
0x8a: {  	s1 =	srdreg.scid  }
0x8b: {  	s0 =	sand.u32 $0x1, s1  }
0x8c: {  	s18 =	sshll.u32 s0, $0xA;
	s2 =	sadd.s32 s3, s2  }
0x8d: {  	s2 =	sadd.s32 s2, s18  }
0x8e: {  	[smem:$0x3FC7] =	sst s2  }
0x8f: {  	_ = 	snop  }
0x90: {  	s2 =	sld [smem:$0x3FC9]  }
0x91: {  	s19 =	sld [smem:$0x3FD0];
	(tm) =	ssettm $0x1  }
0x92: {  	s4 =	sld [smem:$0x3FFB];
	_ =	sdelay $0x3  }
0x93: {  	_ =	strace s4  }
0x94: {  	s4 =	sld [smem:$0x3FFC];
	_ =	sdelay $0x3  }
0x95: {  	_ =	strace s4  }
0x96: {  	s4 =	sld [smem:$0x3FFD];
	_ =	sdelay $0x3  }
0x97: {  	_ =	strace s4  }
0x98: {  	_ =	strace $0x8FFFFFFF  }
0x99: {  	s20 =	sld [smem:$0x3FDB];
	_ =	sdelay $0x1  }
0x9a: {  	s5 =	simm.s32 $_scs_section_size  }
0x9b: {  	s6 =	simm.s32 $_size__tile_overlayer_lowered;
	s7 =	simm.s32 $_tile_overlayer_lowered  }
0x9c: {  	s23 =	simm.s32 $0x1BFF;
	s22 =	sshll.u32 s7, $0x1;
	s4 =	sadd.s32 s5, s20  }
0x9d: {  	s8 =	simm.s32 $0x0;
	s21 =	sshll.u32 s6, $0x1;
	s6 =	sadd.s32 s22, s4  }
0x9e: {  	[timem:s8], [sflag:s23] =	dma.local [hbm:s6], s21  }
0x9f: {  	_ =	swait.ge [sflag:s23], s21  }
0xa0: {  	s5 =	ssub.s32 $0x0, s21;
	[sflag:s23] =	ssyncset.done $0x0  }
0xa1: {  	[sflag:s23] =	ssyncadd.s32 s5;
	_ =	sdelay $0x1  }
0xa2: {  	s24 =	simm.s32 $0x1B8B  }
0xa3: {  	_ =	swait.ge [sflag:s24], $0x1  }
0xa4: {  	[sflag:s24] =	ssyncset.done $0x0  }
0xa5: {  	s25 =	simm.s32 $0x1B8E;
	[sflag:s24] =	ssyncadd.s32 $0xFFFFFFFF  }
0xa6: {  	s26 =	simm.s32 $execute0_lowered;
	[smem:$0x3FD2] =	sst s25  }
0xa7: {  	s5 =	sshll.u32 s26, $0x1;
	_ =	strace $0x80000046;
	[dreg:$0x1] =	wrdreg $0xFFFFFFFF  }
0xa8: {  	s28 =	simm.s32 $_size_execute0_lowered;
	s4 =	sadd.s32 s4, s5;
	[dreg:$0x0] =	wrdreg $0x0  }
0xa9: {  	s5 =	sshll.u32 s28, $0x1;
	[dreg:$0x2] =	wrdreg s4  }
0xaa: {  	[dreg:$0x3] =	wrdreg s5  }
0xab: {  	[dreg:$0x4] =	wrdreg $0xC0  }
0xac: {  	_ =	task [dreg:s8], $0x5FFFF  }
0xad: {  	[dreg:$0x1] =	wrdreg $0xFFFFFFFF  }
0xae: {  	[dreg:$0x0] =	wrdreg $0x60  }
0xaf: {  	[dreg:$0x2] =	wrdreg s2  }
0xb0: {  	[dreg:$0x3] =	wrdreg s19  }
0xb1: {  	[dreg:$0x4] =	wrdreg $0x9  }
0xb2: {  	_ =	task.clear_ibuf [dreg:s8], $0x5FFFF;
	_ =	strace $0x90000046  }
0xb3: {  	s29 =	simm.s32 $0x9;
	_ =	strace $0x80000048  }
0xb4: {  	_ =	swait.ge [sflag:s29], $0x1  }
0xb5: {  	[sflag:s29] =	ssyncadd.s32 $0xFFFFFFFF  }
0xb6: {  	_ =	strace $0x90000048  }
0xb7: {  	_ =	sfence  }
0xb8: {  	s30 =	sld [smem:$0x0];
	_ =	sdelay $0x2  }
0xb9: {  	s31 =	sshll.u32 s1, $0xD;
	s1 =	sshrl.u32 s1, $0x2  }
0xba: {  	s3 =	sand.u32 $0x4000, s31;
	s1 =	sadd.s32 s1, s30  }
0xbb: {  	s0 =	sor.u32 s3, s0;
	s1 =	sshll.u32 s1, $0x11  }
0xbc: {  	s0 =	sor.u32 s1, s0  }
0xbd: {  	s0 =	sadd.s32 $0x8F2B, s0  }
0xbe: {  	[sflag:s0] =	ssyncadd.remote.s32 $0x1  }
0xbf: {  	_ =	sfence.sel $0xFFFF  }
0xc0: {  	[dreg:$0x0] =	wrdreg $0xFFFFFFFF;
	(pc) =	sbr.abs _section_cstart, $3  }
0xc1: {  	[dreg:$0x1] =	wrdreg $0xFFFFFFFF  }
0xc2: {  	_ =	task.clear_ibuf [dreg:s8], $0x2FFFF;
	_ =	strace $0x9FFFFFFF  }
0xc3: {  	(tm) =	ssettm $0x7FFFFFFF  }
tec
execute0_lowered:
.L_overlay_start_1:
0x0: {  	(tag) =	ssettag $0x1  }
0x1: {  	s8 =	rddreg [dreg:$0x0]  }
0x2: {  	s17 =	rddreg [dreg:$0x1];
	s2 =	srdreg.scid  }
0x3: {  	s0 =	rddreg [dreg:$0x2];
	s1 =	stileid.u32;
	s20 =	sand.u32 $0x1, s2  }
0x4: {  	s2 =	simm.s32 $0x0;
	s3 =	sshll.u32 s1, $0xD;
	s4 =	sshll.u32 s20, $0xC  }
0x5: {  	[smem:$0x7FF] =	sst s2;
	s11 =	sor.u32 s4, s3  }
0x6: {  	_ =	strace $0x80000047;
	s3 =	sadd.s32 s8, s11;
	s13 =	sor.u32 $0x400, s11  }
0x7: {  	[tilespmem:s2], [sflag:$0x1] =	stream.linear.gather [hbm4b:s3+s2], $0x2000, $0x38;
	[tilespmem:$0x8000] =	vst v63  }
0x8: {  	s5 =	simm.s32 $0x2000;
	s15 =	sor.u32 $0x800, s11;
	s4 =	sadd.s32 s8, s13  }
0x9: {  	[tilespmem:s5], [sflag:$0x2] =	stream.linear.gather [hbm4b:s4+s2], $0x2000, $0x38;
	[tilespmem:$0x8000] =	vst v63  }
0xa: {  	s7 =	simm.s32 $0x4000;
	s18 =	sor.u32 $0xC00, s11;
	s6 =	sadd.s32 s8, s15  }
0xb: {  	[tilespmem:s7], [sflag:$0x3] =	stream.linear.gather [hbm4b:s6+s2], $0x2000, $0x38;
	[tilespmem:$0x8000] =	vst v63  }
0xc: {  	s9 =	simm.s32 $0x6000;
	s10 =	simm.s32 $0x1;
	s8 =	sadd.s32 s8, s18  }
0xd: {  	[tilespmem:s9], [sflag:$0x4] =	stream.linear.gather [hbm4b:s8+s2], $0x2000, $0x38;
	[tilespmem:$0x8000] =	vst v63  }
0xe: {  	_ =	swait.ge [sflag:s10], $0x2000  }
0xf: {  	[sflag:s10] =	ssyncset.done $0x0  }
0x10: {  	s12 =	simm.s32 $0x2;
	s11 =	sadd.s32 s17, s11;
	[sflag:s10] =	ssyncadd.s32 $0xFFFFE000  }
0x11: {  	[hbm4b:s11+s2] =	stream.linear.scatter [tilespmem:s2], [sflag:$0x5], $0x2000, $0x38;
	[tilespmem:$0x8000] =	vst v63  }
0x12: {  	_ =	swait.ge [sflag:s12], $0x2000  }
0x13: {  	[sflag:s12] =	ssyncset.done $0x0  }
0x14: {  	s14 =	simm.s32 $0x3;
	s13 =	sadd.s32 s17, s13;
	[sflag:s12] =	ssyncadd.s32 $0xFFFFE000  }
0x15: {  	[hbm4b:s13+s2] =	stream.linear.scatter [tilespmem:s5], [sflag:$0x6], $0x2000, $0x38;
	[tilespmem:$0x8000] =	vst v63  }
0x16: {  	_ =	swait.ge [sflag:s14], $0x2000  }
0x17: {  	[sflag:s14] =	ssyncset.done $0x0  }
0x18: {  	s16 =	simm.s32 $0x4;
	s15 =	sadd.s32 s17, s15;
	[sflag:s14] =	ssyncadd.s32 $0xFFFFE000  }
0x19: {  	[hbm4b:s15+s2] =	stream.linear.scatter [tilespmem:s7], [sflag:$0x7], $0x2000, $0x38;
	[tilespmem:$0x8000] =	vst v63  }
0x1a: {  	_ =	swait.ge [sflag:s16], $0x2000  }
0x1b: {  	[sflag:s16] =	ssyncset.done $0x0  }
0x1c: {  	s17 =	sadd.s32 s17, s18;
	s18 =	simm.s32 $0x5;
	[sflag:s16] =	ssyncadd.s32 $0xFFFFE000  }
0x1d: {  	[hbm4b:s17+s2] =	stream.linear.scatter [tilespmem:s9], [sflag:$0x8], $0x2000, $0x38;
	[tilespmem:$0x8000] =	vst v63  }
0x1e: {  	_ =	swait.ge [sflag:s18], $0x2000  }
0x1f: {  	s21 =	ssub.s32 $0x2, s20;
	[sflag:s18] =	ssyncset.done $0x0  }
0x20: {  	s19 =	simm.s32 $0x6;
	s22 =	sshrl.u32 s21, $0x1;
	[sflag:s18] =	ssyncadd.s32 $0xFFFFE000  }
0x21: {  	s21 =	ssub.s32 s21, s22;
	_ =	swait.ge [sflag:s19], $0x2000  }
0x22: {  	s22 =	smax.u32 s21, $0x1;
	[sflag:s19] =	ssyncset.done $0x0  }
0x23: {  	s20 =	simm.s32 $0x7;
	p0 =	sne.s32 s22, $0x1;
	[sflag:s19] =	ssyncadd.s32 $0xFFFFE000  }
.Ltmp0:
0x24: {  	_ =	swait.ge [sflag:s20], $0x2000;
	(pc) =	sbr.rel @!p0 .LBB2_2-.Ltmp0, $4  }
0x25: {  	[sflag:s20] =	ssyncset.done $0x0  }
0x26: {  	s21 =	simm.s32 $0x8;
	[sflag:s20] =	ssyncadd.s32 $0xFFFFE000  }
0x27: {  	_ =	swait.ge [sflag:s21], $0x2000  }
0x28: {  	s22 =	sadd.s32 $0xFFFFFFFF, s22;
	[sflag:s21] =	ssyncset.done $0x0  }
.LBB2_1:
0x29: {  	p0 =	sne.s32 s22, $0x1;
	s22 =	sadd.s32 $0xFFFFFFFF, s22;
	[sflag:s21] =	ssyncadd.s32 $0xFFFFE000  }
0x2a: {  	[tilespmem:s2], [sflag:$0x1] =	stream.linear.gather [hbm4b:s3+s2], $0x2000, $0x38;
	[tilespmem:$0x8000] =	vst v63  }
0x2b: {  	_ = 	snop  }
0x2c: {  	[tilespmem:s5], [sflag:$0x2] =	stream.linear.gather [hbm4b:s4+s2], $0x2000, $0x38;
	[tilespmem:$0x8000] =	vst v63  }
0x2d: {  	_ = 	snop  }
0x2e: {  	[tilespmem:s7], [sflag:$0x3] =	stream.linear.gather [hbm4b:s6+s2], $0x2000, $0x38;
	[tilespmem:$0x8000] =	vst v63  }
0x2f: {  	_ = 	snop  }
0x30: {  	[tilespmem:s9], [sflag:$0x4] =	stream.linear.gather [hbm4b:s8+s2], $0x2000, $0x38;
	[tilespmem:$0x8000] =	vst v63  }
0x31: {  	_ =	swait.ge [sflag:s10], $0x2000  }
0x32: {  	[sflag:s10] =	ssyncset.done $0x0  }
0x33: {  	[sflag:s10] =	ssyncadd.s32 $0xFFFFE000  }
0x34: {  	[hbm4b:s11+s2] =	stream.linear.scatter [tilespmem:s2], [sflag:$0x5], $0x2000, $0x38;
	[tilespmem:$0x8000] =	vst v63  }
0x35: {  	_ =	swait.ge [sflag:s12], $0x2000  }
0x36: {  	[sflag:s12] =	ssyncset.done $0x0  }
0x37: {  	[sflag:s12] =	ssyncadd.s32 $0xFFFFE000  }
0x38: {  	[hbm4b:s13+s2] =	stream.linear.scatter [tilespmem:s5], [sflag:$0x6], $0x2000, $0x38;
	[tilespmem:$0x8000] =	vst v63  }
0x39: {  	_ =	swait.ge [sflag:s14], $0x2000  }
0x3a: {  	[sflag:s14] =	ssyncset.done $0x0  }
0x3b: {  	[sflag:s14] =	ssyncadd.s32 $0xFFFFE000  }
0x3c: {  	[hbm4b:s15+s2] =	stream.linear.scatter [tilespmem:s7], [sflag:$0x7], $0x2000, $0x38;
	[tilespmem:$0x8000] =	vst v63  }
0x3d: {  	_ =	swait.ge [sflag:s16], $0x2000  }
0x3e: {  	[sflag:s16] =	ssyncset.done $0x0  }
0x3f: {  	[sflag:s16] =	ssyncadd.s32 $0xFFFFE000  }
0x40: {  	[hbm4b:s17+s2] =	stream.linear.scatter [tilespmem:s9], [sflag:$0x8], $0x2000, $0x38;
	[tilespmem:$0x8000] =	vst v63  }
0x41: {  	_ =	swait.ge [sflag:s18], $0x2000  }
0x42: {  	[sflag:s18] =	ssyncset.done $0x0  }
0x43: {  	[sflag:s18] =	ssyncadd.s32 $0xFFFFE000  }
0x44: {  	_ =	swait.ge [sflag:s19], $0x2000  }
0x45: {  	[sflag:s19] =	ssyncset.done $0x0  }
0x46: {  	[sflag:s19] =	ssyncadd.s32 $0xFFFFE000  }
.Ltmp1:
0x47: {  	_ =	swait.ge [sflag:s20], $0x2000;
	(pc) =	sbr.rel @p0 .LBB2_1-.Ltmp1, $4  }
0x48: {  	[sflag:s20] =	ssyncset.done $0x0  }
0x49: {  	[sflag:s20] =	ssyncadd.s32 $0xFFFFE000  }
0x4a: {  	_ =	swait.ge [sflag:s21], $0x2000  }
0x4b: {  	[sflag:s21] =	ssyncset.done $0x0  }
.LBB2_2:
0x4c: {  	[sflag:s21] =	ssyncadd.s32 $0xFFFFE000  }
0x4d: {  	_ =	sfence.sel $0x180000  }
0x4e: {  	[bflag:$0x0] =	sbarrier.arrive $0xFFFF  }
0x4f: {  	p0 =	sne.s32 s1, $0x0;
	_ =	strace $0x90000047  }
0x50: {  	s0 =	sadd.s32 @!p0 $0x100000, s0;
	[bflag:$0x2] =	sbarrier.arrive $0xFFFF  }
0x51: {  	[sflag:s0] =	ssyncadd.tile.s32 @!p0 $0x1;
	_ =	shalt  }
.Lfunc_end2:
_tile_overlayer_lowered:
.L_overlay_start_2:
0x52: {  	(tag) =	ssettag $0x2  }
0x53: {  	s0 =	rddreg [dreg:$0x0];
	s2 =	stileid.u32  }
0x54: {  	s1 =	rddreg [dreg:$0x1];
	p0 =	sne.s32 s2, $0x0  }
0x55: {  	s3 =	rddreg [dreg:$0x2];
	[bflag:$0x3] =	sbarrier.arrive $0xFFFF;
	s2 =	simm.s32 @!p0 $0x1C09  }
0x56: {  	[timem:s3], [sflag:s2] =	dma.local @!p0 [hbm:s0], s1  }
0x57: {  	s0 =	simm.s32 @!p0 $0x9  }
0x58: {  	_ =	swait.ge @!p0 [sflag:s0], s1  }
0x59: {  	s1 =	ssub.s32 @!p0 $0x0, s1;
	[sflag:s0] =	ssyncset.done @!p0 $0x0  }
0x5a: {  	[sflag:s0] =	ssyncadd.s32 @!p0 s1  }
0x5b: {  	[bflag:$0x3] =	sbarrier.arrive $0xFFFF  }
0x5c: {  	_ =	shalt  }

</sc_bundles>
